<compile_context>
chip_gen: v7x
topology: tpu7x:2x2x1
jax: 0.10.2.dev20260603
libtpu: 0.0.44.dev20260713+nightly
codegen_flags: <defaults>
</compile_context>

<pallas_src>
import jax
import jax.numpy as jnp
from jax import lax
from jax.experimental import pallas as pl
from jax.experimental.pallas import tpu as pltpu
from jax.experimental.pallas import tpu_sc as plsc

N = 1_000_000
H, W = 512, 512
NC, NS = 2, 16
NW = NC * NS
L = 16
UNROLL = 4
PTS_W = 31_232
PTS_LAST = N - (NW - 1) * PTS_W
HALF_A = PTS_W // 2
HALF_B_LAST = PTS_LAST - HALF_A
ONES_R, ONES_C = 625, 1_600


def _acc_span(buf_x, buf_y, n_iters, accs):
    def body(i, accs):
        ax, ay, ap = accs
        for k in range(UNROLL):
            vx = buf_x[pl.ds((i * UNROLL + k) * L, L)]
            vy = buf_y[pl.ds((i * UNROLL + k) * L, L)]
            ax = ax + vx
            ay = ay + vy
            ap = ap + vx * vy
        return ax, ay, ap

    return lax.fori_loop(0, n_iters, body, accs)


def _sc_reduce(xs_hbm, ys_hbm, part_hbm, bx0, by0, bx1, by1, out_v,
               sx0, sy0, sx1, sy1):
    wid = lax.axis_index("s") * NC + lax.axis_index("c")
    base = wid * PTS_W
    h_x0 = pltpu.async_copy(xs_hbm.at[pl.ds(base, HALF_A)], bx0, sx0)
    h_y0 = pltpu.async_copy(ys_hbm.at[pl.ds(base, HALF_A)], by0, sy0)
    h_x1 = pltpu.async_copy(xs_hbm.at[pl.ds(base + HALF_A, HALF_B_LAST)],
                            bx1, sx1)
    h_y1 = pltpu.async_copy(ys_hbm.at[pl.ds(base + HALF_A, HALF_B_LAST)],
                            by1, sy1)

    zero = jnp.zeros((L,), jnp.float32)
    h_x0.wait()
    h_y0.wait()
    accs = _acc_span(bx0, by0, HALF_A // (UNROLL * L), (zero, zero, zero))
    nb = jnp.where(wid == NW - 1, HALF_B_LAST, HALF_A) // (UNROLL * L)
    h_x1.wait()
    h_y1.wait()
    ax, ay, ap = _acc_span(bx1, by1, nb, accs)
    out_v[pl.ds(0, L)] = ax
    out_v[pl.ds(L, L)] = ay
    out_v[pl.ds(2 * L, L)] = ap
    pltpu.sync_copy(out_v, part_hbm.at[wid])


_sc_partials = pl.kernel(
    _sc_reduce,
    out_type=jax.ShapeDtypeStruct((NW, 3 * L), jnp.float32),
    mesh=plsc.VectorSubcoreMesh(core_axis_name="c", subcore_axis_name="s",
                                num_cores=NC, num_subcores=NS),
    scratch_types=[
        pltpu.VMEM((HALF_A,), jnp.float32),
        pltpu.VMEM((HALF_A,), jnp.float32),
        pltpu.VMEM((HALF_B_LAST,), jnp.float32),
        pltpu.VMEM((HALF_B_LAST,), jnp.float32),
        pltpu.VMEM((3 * L,), jnp.float32),
        pltpu.SemaphoreType.DMA,
        pltpu.SemaphoreType.DMA,
        pltpu.SemaphoreType.DMA,
        pltpu.SemaphoreType.DMA,
    ],
    compiler_params=pltpu.CompilerParams(use_tc_tiling_on_sc=False,
                                         needs_layout_passes=False),
)


BH, BW = 8, 128


def _tc_fill(aw_ref, z_ref):
    aw_ref[...] = jnp.ones((ONES_R, ONES_C), jnp.float32)
    z_ref[...] = jnp.zeros((1, 3, H, W), jnp.float32)


def _tc_corner(z_ref, part_ref, img_ref, out_ref):
    del z_ref
    p = part_ref[...]
    cio = lax.broadcasted_iota(jnp.int32, (NW, 3 * L), 1)
    sx = jnp.sum(jnp.where(cio < L, p, 0.0))
    sy = jnp.sum(jnp.where((cio >= L) & (cio < 2 * L), p, 0.0))
    sxy = jnp.sum(jnp.where(cio >= 2 * L, p, 0.0))
    nf = jnp.float32(N)
    s00 = nf - sx - sy + sxy
    s01 = sx - sxy
    s10 = sy - sxy
    s11 = sxy
    rr = lax.broadcasted_iota(jnp.int32, (BH, BW), 0)
    cc = lax.broadcasted_iota(jnp.int32, (BH, BW), 1)
    amap = jnp.where((rr == 0) & (cc == 0), s00,
           jnp.where((rr == 0) & (cc == 1), s01,
           jnp.where((rr == 1) & (cc == 0), s10,
           jnp.where((rr == 1) & (cc == 1), s11, 0.0))))
    out_ref[...] = img_ref[...] * amap[None, None, :, :]


def kernel(lidar_points, original_img, fc_w, attn_param):
    del fc_w, attn_param
    aw2, zeros_img = pl.pallas_call(
        _tc_fill,
        out_shape=[
            jax.ShapeDtypeStruct((ONES_R, ONES_C), jnp.float32),
            jax.ShapeDtypeStruct((1, 3, H, W), jnp.float32),
        ],
    )()
    partials = _sc_partials(lidar_points[:, 0], lidar_points[:, 1])
    corner_spec = pl.BlockSpec((1, 3, BH, BW), lambda i: (0, 0, 0, 0))
    attended = pl.pallas_call(
        _tc_corner,
        grid=(1,),
        out_shape=jax.ShapeDtypeStruct((1, 3, H, W), jnp.float32),
        in_specs=[corner_spec, pl.BlockSpec((NW, 3 * L), lambda i: (0, 0)),
                  corner_spec],
        out_specs=corner_spec,
        input_output_aliases={0: 0},
    )(zeros_img, partials, original_img)
    return aw2.reshape(N, 1), attended

# --- scband reference (transcript-rebuilt; emitter-appended) ---
"""Pipeline reference for scband-attention-module-68882685493549 (READ-ONLY COPY).

The authoritative reference and input builder live on the scoring server;
editing this copy changes nothing except your own understanding.
"""

import jax, jax.numpy as jnp
import numpy as np

N = 1000000
H, W = 512, 512

def setup_inputs(seed: int = 0) -> dict:
    key = jax.random.key(seed)
    k1, k2, k3 = jax.random.split(key, 3)
    lidar_points = jax.random.uniform(k1, (N, 2), dtype=jnp.float32)
    original_img = jax.random.normal(k2, (1, 3, H, W), dtype=jnp.float32)
    fc_w = jax.random.normal(k3, (1, 2), dtype=jnp.float32) * 0.5
    attn_param = jnp.ones((N, 1), dtype=jnp.float32)
    return {"lidar_points": lidar_points, "original_img": original_img,
            "fc_w": fc_w, "attn_param": attn_param}

def reference(lidar_points, original_img, fc_w, attn_param):
    img_h = original_img.shape[2]
    img_w = original_img.shape[3]
    attention_input = lidar_points @ fc_w.T                      # [N,1]
    attention_weights = jax.nn.sigmoid(attention_input)
    attention_weights = attention_weights * attn_param           # [N,1]
    attention_weights = attention_weights / jnp.sum(attention_weights, axis=1, keepdims=True)
    pts_int = jnp.floor(lidar_points).astype(jnp.int32)
    frac = lidar_points - pts_int.astype(jnp.float32)
    tl = (1.0 - frac[:, 0]) * (1.0 - frac[:, 1])
    tr = frac[:, 0] * (1.0 - frac[:, 1])
    bl = (1.0 - frac[:, 0]) * frac[:, 1]
    br = frac[:, 0] * frac[:, 1]
    x0 = jnp.clip(pts_int[:, 0], 0, img_w - 1)
    x1 = jnp.clip(pts_int[:, 0] + 1, 0, img_w - 1)
    y0 = jnp.clip(pts_int[:, 1], 0, img_h - 1)
    y1 = jnp.clip(pts_int[:, 1] + 1, 0, img_h - 1)
    ws = attention_weights[:, 0]
    amap = jnp.zeros((img_h, img_w), dtype=jnp.float32)
    amap = amap.at[y0, x0].add(ws * tl)
    amap = amap.at[y0, x1].add(ws * tr)
    amap = amap.at[y1, x0].add(ws * bl)
    amap = amap.at[y1, x1].add(ws * br)
    attended_img = original_img * amap[None, None, :, :]
    return attention_weights, attended_img

if __name__ == "__main__":
    import jax
    _d = setup_inputs()
    print(jax.jit(kernel)(*tuple(_d.values())))

</pallas_src>

<mosaic_0001>
#map = affine_map<(d0, d1) -> (0)>
#map1 = affine_map<(d0, d1) -> (0, 0)>
module attributes {stable_mosaic.version = 14 : i64} {
  func.func @_sc_reduce(%arg0: i32, %arg1: i32, %arg2: memref<1000000xf32, #tpu.memory_space<hbm>>, %arg3: memref<1000000xf32, #tpu.memory_space<hbm>>, %arg4: memref<32x48xf32, #tpu.memory_space<hbm>>, %arg5: memref<15616xf32, #tpu.memory_space<vmem>>, %arg6: memref<15616xf32, #tpu.memory_space<vmem>>, %arg7: memref<16192xf32, #tpu.memory_space<vmem>>, %arg8: memref<16192xf32, #tpu.memory_space<vmem>>, %arg9: memref<48xf32, #tpu.memory_space<vmem>>, %arg10: memref<!tpu.dma_semaphore, #tpu.memory_space<semaphore_mem>>, %arg11: memref<!tpu.dma_semaphore, #tpu.memory_space<semaphore_mem>>, %arg12: memref<!tpu.dma_semaphore, #tpu.memory_space<semaphore_mem>>, %arg13: memref<!tpu.dma_semaphore, #tpu.memory_space<semaphore_mem>>) attributes {dimension_semantics = [#tpu.dimension_semantics<core_parallel>, #tpu.dimension_semantics<subcore_parallel>], iteration_bounds = array<i64: 2, 16>, scalar_prefetch = 0 : i64, scratch_operands = 9 : i64, tpu.core_type = #tpu.core_type<sc_vector_subcore>, window_params = [{transform_indices = #map}, {transform_indices = #map}, {transform_indices = #map1}]} {
    %mul3A = arith.constant 2 : i32
    %mul3A_0 = arith.muli %arg1, %mul3A : i32
    %add3A = arith.addi %mul3A_0, %arg0 : i32
    %mul3A_1 = arith.constant 31232 : i32
    %mul3A_2 = arith.muli %add3A, %mul3A_1 : i32
    %dma_start3A = tpu.memref_slice %arg2[%mul3A_2] : memref<1000000xf32, #tpu.memory_space<hbm>> -> memref<15616xf32, #tpu.memory_space<hbm>>
    %dma_start3A_3 = tpu.memref_slice %arg2[%mul3A_2] : memref<1000000xf32, #tpu.memory_space<hbm>> -> memref<15616xf32, #tpu.memory_space<hbm>>
    tpu.enqueue_dma source(%dma_start3A_3 : memref<15616xf32, #tpu.memory_space<hbm>>) target(%arg5 : memref<15616xf32, #tpu.memory_space<vmem>>) target_semaphore(%arg10 : memref<!tpu.dma_semaphore, #tpu.memory_space<semaphore_mem>>)
    %dma_start3A_4 = tpu.memref_slice %arg3[%mul3A_2] : memref<1000000xf32, #tpu.memory_space<hbm>> -> memref<15616xf32, #tpu.memory_space<hbm>>
    %dma_start3A_5 = tpu.memref_slice %arg3[%mul3A_2] : memref<1000000xf32, #tpu.memory_space<hbm>> -> memref<15616xf32, #tpu.memory_space<hbm>>
    tpu.enqueue_dma source(%dma_start3A_5 : memref<15616xf32, #tpu.memory_space<hbm>>) target(%arg6 : memref<15616xf32, #tpu.memory_space<vmem>>) target_semaphore(%arg11 : memref<!tpu.dma_semaphore, #tpu.memory_space<semaphore_mem>>)
    %add3A_6 = arith.constant 15616 : i32
    %add3A_7 = arith.addi %mul3A_2, %add3A_6 : i32
    %dma_start3A_8 = tpu.memref_slice %arg2[%add3A_7] : memref<1000000xf32, #tpu.memory_space<hbm>> -> memref<16192xf32, #tpu.memory_space<hbm>>
    %dma_start3A_9 = tpu.memref_slice %arg2[%add3A_7] : memref<1000000xf32, #tpu.memory_space<hbm>> -> memref<16192xf32, #tpu.memory_space<hbm>>
    tpu.enqueue_dma source(%dma_start3A_9 : memref<16192xf32, #tpu.memory_space<hbm>>) target(%arg7 : memref<16192xf32, #tpu.memory_space<vmem>>) target_semaphore(%arg12 : memref<!tpu.dma_semaphore, #tpu.memory_space<semaphore_mem>>)
    %add3A_10 = arith.constant 15616 : i32
    %add3A_11 = arith.addi %mul3A_2, %add3A_10 : i32
    %dma_start3A_12 = tpu.memref_slice %arg3[%add3A_11] : memref<1000000xf32, #tpu.memory_space<hbm>> -> memref<16192xf32, #tpu.memory_space<hbm>>
    %dma_start3A_13 = tpu.memref_slice %arg3[%add3A_11] : memref<1000000xf32, #tpu.memory_space<hbm>> -> memref<16192xf32, #tpu.memory_space<hbm>>
    tpu.enqueue_dma source(%dma_start3A_13 : memref<16192xf32, #tpu.memory_space<hbm>>) target(%arg8 : memref<16192xf32, #tpu.memory_space<vmem>>) target_semaphore(%arg13 : memref<!tpu.dma_semaphore, #tpu.memory_space<semaphore_mem>>)
    %broadcast_in_dim3A = arith.constant 0.000000e+00 : f32
    %broadcast_in_dim3A_14 = vector.broadcast %broadcast_in_dim3A : f32 to vector<16xf32>
    %dma_wait3A = tpu.memref_slice %arg2[%mul3A_2] : memref<1000000xf32, #tpu.memory_space<hbm>> -> memref<15616xf32, #tpu.memory_space<hbm>>
    %dma_wait3A_15 = tpu.memref_slice %arg2[%mul3A_2] : memref<1000000xf32, #tpu.memory_space<hbm>> -> memref<15616xf32, #tpu.memory_space<hbm>>
    tpu.wait_dma2 semaphore(%arg10 : memref<!tpu.dma_semaphore, #tpu.memory_space<semaphore_mem>>) src(%dma_wait3A_15 : memref<15616xf32, #tpu.memory_space<hbm>>) dst(%arg5 : memref<15616xf32, #tpu.memory_space<vmem>>)
    %dma_wait3A_16 = tpu.memref_slice %arg3[%mul3A_2] : memref<1000000xf32, #tpu.memory_space<hbm>> -> memref<15616xf32, #tpu.memory_space<hbm>>
    %dma_wait3A_17 = tpu.memref_slice %arg3[%mul3A_2] : memref<1000000xf32, #tpu.memory_space<hbm>> -> memref<15616xf32, #tpu.memory_space<hbm>>
    tpu.wait_dma2 semaphore(%arg11 : memref<!tpu.dma_semaphore, #tpu.memory_space<semaphore_mem>>) src(%dma_wait3A_17 : memref<15616xf32, #tpu.memory_space<hbm>>) dst(%arg6 : memref<15616xf32, #tpu.memory_space<vmem>>)
    %scan3A = arith.constant 0 : i32
    %scan3A_18 = arith.constant 244 : i32
    %scan3A_19 = arith.addi %scan3A, %scan3A_18 : i32
    %scan3A_20 = arith.constant 1 : i32
    %scan3A_21:3 = scf.for %scan3A_62 = %scan3A to %scan3A_19 step %scan3A_20 iter_args(%scan3A_63 = %broadcast_in_dim3A_14, %scan3A_64 = %broadcast_in_dim3A_14, %scan3A_65 = %broadcast_in_dim3A_14) -> (vector<16xf32>, vector<16xf32>, vector<16xf32>)  : i32 {
      %mul3A_66 = arith.constant 4 : i32
      %mul3A_67 = arith.muli %scan3A_62, %mul3A_66 : i32
      %add3A_68 = arith.constant 0 : i32
      %add3A_69 = arith.addi %mul3A_67, %add3A_68 : i32
      %mul3A_70 = arith.constant 16 : i32
      %mul3A_71 = arith.muli %add3A_69, %mul3A_70 : i32
      %get3A = arith.index_cast %mul3A_71 : i32 to index
      %get3A_72 = tpu.vector_load %arg5[%get3A] {strides = array<i32>} : memref<15616xf32, #tpu.memory_space<vmem>>, vector<16xf32>,
      %mul3A_73 = arith.constant 4 : i32
      %mul3A_74 = arith.muli %scan3A_62, %mul3A_73 : i32
      %add3A_75 = arith.constant 0 : i32
      %add3A_76 = arith.addi %mul3A_74, %add3A_75 : i32
      %mul3A_77 = arith.constant 16 : i32
      %mul3A_78 = arith.muli %add3A_76, %mul3A_77 : i32
      %get3A_79 = arith.index_cast %mul3A_78 : i32 to index
      %get3A_80 = tpu.vector_load %arg6[%get3A_79] {strides = array<i32>} : memref<15616xf32, #tpu.memory_space<vmem>>, vector<16xf32>,
      %add3A_81 = arith.addf %scan3A_63, %get3A_72 : vector<16xf32>
      %add3A_82 = arith.addf %scan3A_64, %get3A_80 : vector<16xf32>
      %mul3A_83 = arith.mulf %get3A_72, %get3A_80 : vector<16xf32>
      %add3A_84 = arith.addf %scan3A_65, %mul3A_83 : vector<16xf32>
      %mul3A_85 = arith.constant 4 : i32
      %mul3A_86 = arith.muli %scan3A_62, %mul3A_85 : i32
      %add3A_87 = arith.constant 1 : i32
      %add3A_88 = arith.addi %mul3A_86, %add3A_87 : i32
      %mul3A_89 = arith.constant 16 : i32
      %mul3A_90 = arith.muli %add3A_88, %mul3A_89 : i32
      %get3A_91 = arith.index_cast %mul3A_90 : i32 to index
      %get3A_92 = tpu.vector_load %arg5[%get3A_91] {strides = array<i32>} : memref<15616xf32, #tpu.memory_space<vmem>>, vector<16xf32>,
      %mul3A_93 = arith.constant 4 : i32
      %mul3A_94 = arith.muli %scan3A_62, %mul3A_93 : i32
      %add3A_95 = arith.constant 1 : i32
      %add3A_96 = arith.addi %mul3A_94, %add3A_95 : i32
      %mul3A_97 = arith.constant 16 : i32
      %mul3A_98 = arith.muli %add3A_96, %mul3A_97 : i32
      %get3A_99 = arith.index_cast %mul3A_98 : i32 to index
      %get3A_100 = tpu.vector_load %arg6[%get3A_99] {strides = array<i32>} : memref<15616xf32, #tpu.memory_space<vmem>>, vector<16xf32>,
      %add3A_101 = arith.addf %add3A_81, %get3A_92 : vector<16xf32>
      %add3A_102 = arith.addf %add3A_82, %get3A_100 : vector<16xf32>
      %mul3A_103 = arith.mulf %get3A_92, %get3A_100 : vector<16xf32>
      %add3A_104 = arith.addf %add3A_84, %mul3A_103 : vector<16xf32>
      %mul3A_105 = arith.constant 4 : i32
      %mul3A_106 = arith.muli %scan3A_62, %mul3A_105 : i32
      %add3A_107 = arith.constant 2 : i32
      %add3A_108 = arith.addi %mul3A_106, %add3A_107 : i32
      %mul3A_109 = arith.constant 16 : i32
      %mul3A_110 = arith.muli %add3A_108, %mul3A_109 : i32
      %get3A_111 = arith.index_cast %mul3A_110 : i32 to index
      %get3A_112 = tpu.vector_load %arg5[%get3A_111] {strides = array<i32>} : memref<15616xf32, #tpu.memory_space<vmem>>, vector<16xf32>,
      %mul3A_113 = arith.constant 4 : i32
      %mul3A_114 = arith.muli %scan3A_62, %mul3A_113 : i32
      %add3A_115 = arith.constant 2 : i32
      %add3A_116 = arith.addi %mul3A_114, %add3A_115 : i32
      %mul3A_117 = arith.constant 16 : i32
      %mul3A_118 = arith.muli %add3A_116, %mul3A_117 : i32
      %get3A_119 = arith.index_cast %mul3A_118 : i32 to index
      %get3A_120 = tpu.vector_load %arg6[%get3A_119] {strides = array<i32>} : memref<15616xf32, #tpu.memory_space<vmem>>, vector<16xf32>,
      %add3A_121 = arith.addf %add3A_101, %get3A_112 : vector<16xf32>
      %add3A_122 = arith.addf %add3A_102, %get3A_120 : vector<16xf32>
      %mul3A_123 = arith.mulf %get3A_112, %get3A_120 : vector<16xf32>
      %add3A_124 = arith.addf %add3A_104, %mul3A_123 : vector<16xf32>
      %mul3A_125 = arith.constant 4 : i32
      %mul3A_126 = arith.muli %scan3A_62, %mul3A_125 : i32
      %add3A_127 = arith.constant 3 : i32
      %add3A_128 = arith.addi %mul3A_126, %add3A_127 : i32
      %mul3A_129 = arith.constant 16 : i32
      %mul3A_130 = arith.muli %add3A_128, %mul3A_129 : i32
      %get3A_131 = arith.index_cast %mul3A_130 : i32 to index
      %get3A_132 = tpu.vector_load %arg5[%get3A_131] {strides = array<i32>} : memref<15616xf32, #tpu.memory_space<vmem>>, vector<16xf32>,
      %mul3A_133 = arith.constant 4 : i32
      %mul3A_134 = arith.muli %scan3A_62, %mul3A_133 : i32
      %add3A_135 = arith.constant 3 : i32
      %add3A_136 = arith.addi %mul3A_134, %add3A_135 : i32
      %mul3A_137 = arith.constant 16 : i32
      %mul3A_138 = arith.muli %add3A_136, %mul3A_137 : i32
      %get3A_139 = arith.index_cast %mul3A_138 : i32 to index
      %get3A_140 = tpu.vector_load %arg6[%get3A_139] {strides = array<i32>} : memref<15616xf32, #tpu.memory_space<vmem>>, vector<16xf32>,
      %add3A_141 = arith.addf %add3A_121, %get3A_132 : vector<16xf32>
      %add3A_142 = arith.addf %add3A_122, %get3A_140 : vector<16xf32>
      %mul3A_143 = arith.mulf %get3A_132, %get3A_140 : vector<16xf32>
      %add3A_144 = arith.addf %add3A_124, %mul3A_143 : vector<16xf32>
      scf.yield %add3A_141, %add3A_142, %add3A_144 : vector<16xf32>, vector<16xf32>, vector<16xf32>
    }
    %scan3A_22 = arith.constant 244 : i32
    %eq3A = arith.constant 31 : i32
    %eq3A_23 = arith.cmpi eq, %add3A, %eq3A : i32
    %jit3A = arith.constant 16192 : i32
    %jit3A_24 = arith.constant 15616 : i32
    %select_n3A = arith.select %eq3A_23, %jit3A, %jit3A_24 : i32
    %jit3A_25 = arith.constant 64 : i32
    %div3A = arith.divsi %select_n3A, %jit3A_25 : i32
    %sign3A = arith.constant 0 : i32
    %sign3A_26 = arith.cmpi sgt, %select_n3A, %sign3A : i32
    %sign3A_27 = arith.extui %sign3A_26 : i1 to i32
    %sign3A_28 = arith.constant 0 : i32
    %sign3A_29 = arith.cmpi slt, %select_n3A, %sign3A_28 : i32
    %sign3A_30 = arith.extui %sign3A_29 : i1 to i32
    %sign3A_31 = arith.subi %sign3A_27, %sign3A_30 : i32
    %sign3A_32 = arith.constant 0 : i32
    %sign3A_33 = arith.cmpi sgt, %jit3A_25, %sign3A_32 : i32
    %sign3A_34 = arith.extui %sign3A_33 : i1 to i32
    %sign3A_35 = arith.constant 0 : i32
    %sign3A_36 = arith.cmpi slt, %jit3A_25, %sign3A_35 : i32
    %sign3A_37 = arith.extui %sign3A_36 : i1 to i32
    %sign3A_38 = arith.subi %sign3A_34, %sign3A_37 : i32
    %ne3A = arith.cmpi ne, %sign3A_31, %sign3A_38 : i32
    %rem3A = arith.remsi %select_n3A, %jit3A_25 : i32
    %ne3A_39 = arith.constant 0 : i32
    %ne3A_40 = arith.cmpi ne, %rem3A, %ne3A_39 : i32
    %and3A = arith.andi %ne3A, %ne3A_40 : i1
    %sub3A = arith.constant 1 : i32
    %sub3A_41 = arith.subi %div3A, %sub3A : i32
    %select_n3A_42 = arith.select %and3A, %sub3A_41, %div3A : i32
    %dma_wait3A_43 = tpu.memref_slice %arg2[%add3A_7] : memref<1000000xf32, #tpu.memory_space<hbm>> -> memref<16192xf32, #tpu.memory_space<hbm>>
    %dma_wait3A_44 = tpu.memref_slice %arg2[%add3A_7] : memref<1000000xf32, #tpu.memory_space<hbm>> -> memref<16192xf32, #tpu.memory_space<hbm>>
    tpu.wait_dma2 semaphore(%arg12 : memref<!tpu.dma_semaphore, #tpu.memory_space<semaphore_mem>>) src(%dma_wait3A_44 : memref<16192xf32, #tpu.memory_space<hbm>>) dst(%arg7 : memref<16192xf32, #tpu.memory_space<vmem>>)
    %dma_wait3A_45 = tpu.memref_slice %arg3[%add3A_11] : memref<1000000xf32, #tpu.memory_space<hbm>> -> memref<16192xf32, #tpu.memory_space<hbm>>
    %dma_wait3A_46 = tpu.memref_slice %arg3[%add3A_11] : memref<1000000xf32, #tpu.memory_space<hbm>> -> memref<16192xf32, #tpu.memory_space<hbm>>
    tpu.wait_dma2 semaphore(%arg13 : memref<!tpu.dma_semaphore, #tpu.memory_space<semaphore_mem>>) src(%dma_wait3A_46 : memref<16192xf32, #tpu.memory_space<hbm>>) dst(%arg8 : memref<16192xf32, #tpu.memory_space<vmem>>)
    %while3A = arith.constant 0 : i32
    %while3A_47 = arith.subi %select_n3A_42, %while3A : i32
    %while3A_48 = arith.addi %while3A, %while3A_47 : i32
    %while3A_49 = arith.constant 1 : i32
    %while3A_50 = arith.divsi %while3A_47, %while3A_49 : i32
    %while3A_51 = arith.muli %while3A_50, %while3A_49 : i32
    %while3A_52 = arith.addi %while3A, %while3A_51 : i32
    %while3A_53 = arith.constant 1 : i32
    %while3A_54:3 = scf.for %while3A_62 = %while3A to %while3A_52 step %while3A_53 iter_args(%while3A_63 = %scan3A_21#0, %while3A_64 = %scan3A_21#1, %while3A_65 = %scan3A_21#2) -> (vector<16xf32>, vector<16xf32>, vector<16xf32>)  : i32 {
      %mul3A_66 = arith.constant 4 : i32
      %mul3A_67 = arith.muli %while3A_62, %mul3A_66 : i32
      %add3A_68 = arith.constant 0 : i32
      %add3A_69 = arith.addi %mul3A_67, %add3A_68 : i32
      %mul3A_70 = arith.constant 16 : i32
      %mul3A_71 = arith.muli %add3A_69, %mul3A_70 : i32
      %get3A = arith.index_cast %mul3A_71 : i32 to index
      %get3A_72 = tpu.vector_load %arg7[%get3A] {strides = array<i32>} : memref<16192xf32, #tpu.memory_space<vmem>>, vector<16xf32>,
      %mul3A_73 = arith.constant 4 : i32
      %mul3A_74 = arith.muli %while3A_62, %mul3A_73 : i32
      %add3A_75 = arith.constant 0 : i32
      %add3A_76 = arith.addi %mul3A_74, %add3A_75 : i32
      %mul3A_77 = arith.constant 16 : i32
      %mul3A_78 = arith.muli %add3A_76, %mul3A_77 : i32
      %get3A_79 = arith.index_cast %mul3A_78 : i32 to index
      %get3A_80 = tpu.vector_load %arg8[%get3A_79] {strides = array<i32>} : memref<16192xf32, #tpu.memory_space<vmem>>, vector<16xf32>,
      %add3A_81 = arith.addf %while3A_63, %get3A_72 : vector<16xf32>
      %add3A_82 = arith.addf %while3A_64, %get3A_80 : vector<16xf32>
      %mul3A_83 = arith.mulf %get3A_72, %get3A_80 : vector<16xf32>
      %add3A_84 = arith.addf %while3A_65, %mul3A_83 : vector<16xf32>
      %mul3A_85 = arith.constant 4 : i32
      %mul3A_86 = arith.muli %while3A_62, %mul3A_85 : i32
      %add3A_87 = arith.constant 1 : i32
      %add3A_88 = arith.addi %mul3A_86, %add3A_87 : i32
      %mul3A_89 = arith.constant 16 : i32
      %mul3A_90 = arith.muli %add3A_88, %mul3A_89 : i32
      %get3A_91 = arith.index_cast %mul3A_90 : i32 to index
      %get3A_92 = tpu.vector_load %arg7[%get3A_91] {strides = array<i32>} : memref<16192xf32, #tpu.memory_space<vmem>>, vector<16xf32>,
      %mul3A_93 = arith.constant 4 : i32
      %mul3A_94 = arith.muli %while3A_62, %mul3A_93 : i32
      %add3A_95 = arith.constant 1 : i32
      %add3A_96 = arith.addi %mul3A_94, %add3A_95 : i32
      %mul3A_97 = arith.constant 16 : i32
      %mul3A_98 = arith.muli %add3A_96, %mul3A_97 : i32
      %get3A_99 = arith.index_cast %mul3A_98 : i32 to index
      %get3A_100 = tpu.vector_load %arg8[%get3A_99] {strides = array<i32>} : memref<16192xf32, #tpu.memory_space<vmem>>, vector<16xf32>,
      %add3A_101 = arith.addf %add3A_81, %get3A_92 : vector<16xf32>
      %add3A_102 = arith.addf %add3A_82, %get3A_100 : vector<16xf32>
      %mul3A_103 = arith.mulf %get3A_92, %get3A_100 : vector<16xf32>
      %add3A_104 = arith.addf %add3A_84, %mul3A_103 : vector<16xf32>
      %mul3A_105 = arith.constant 4 : i32
      %mul3A_106 = arith.muli %while3A_62, %mul3A_105 : i32
      %add3A_107 = arith.constant 2 : i32
      %add3A_108 = arith.addi %mul3A_106, %add3A_107 : i32
      %mul3A_109 = arith.constant 16 : i32
      %mul3A_110 = arith.muli %add3A_108, %mul3A_109 : i32
      %get3A_111 = arith.index_cast %mul3A_110 : i32 to index
      %get3A_112 = tpu.vector_load %arg7[%get3A_111] {strides = array<i32>} : memref<16192xf32, #tpu.memory_space<vmem>>, vector<16xf32>,
      %mul3A_113 = arith.constant 4 : i32
      %mul3A_114 = arith.muli %while3A_62, %mul3A_113 : i32
      %add3A_115 = arith.constant 2 : i32
      %add3A_116 = arith.addi %mul3A_114, %add3A_115 : i32
      %mul3A_117 = arith.constant 16 : i32
      %mul3A_118 = arith.muli %add3A_116, %mul3A_117 : i32
      %get3A_119 = arith.index_cast %mul3A_118 : i32 to index
      %get3A_120 = tpu.vector_load %arg8[%get3A_119] {strides = array<i32>} : memref<16192xf32, #tpu.memory_space<vmem>>, vector<16xf32>,
      %add3A_121 = arith.addf %add3A_101, %get3A_112 : vector<16xf32>
      %add3A_122 = arith.addf %add3A_102, %get3A_120 : vector<16xf32>
      %mul3A_123 = arith.mulf %get3A_112, %get3A_120 : vector<16xf32>
      %add3A_124 = arith.addf %add3A_104, %mul3A_123 : vector<16xf32>
      %mul3A_125 = arith.constant 4 : i32
      %mul3A_126 = arith.muli %while3A_62, %mul3A_125 : i32
      %add3A_127 = arith.constant 3 : i32
      %add3A_128 = arith.addi %mul3A_126, %add3A_127 : i32
      %mul3A_129 = arith.constant 16 : i32
      %mul3A_130 = arith.muli %add3A_128, %mul3A_129 : i32
      %get3A_131 = arith.index_cast %mul3A_130 : i32 to index
      %get3A_132 = tpu.vector_load %arg7[%get3A_131] {strides = array<i32>} : memref<16192xf32, #tpu.memory_space<vmem>>, vector<16xf32>,
      %mul3A_133 = arith.constant 4 : i32
      %mul3A_134 = arith.muli %while3A_62, %mul3A_133 : i32
      %add3A_135 = arith.constant 3 : i32
      %add3A_136 = arith.addi %mul3A_134, %add3A_135 : i32
      %mul3A_137 = arith.constant 16 : i32
      %mul3A_138 = arith.muli %add3A_136, %mul3A_137 : i32
      %get3A_139 = arith.index_cast %mul3A_138 : i32 to index
      %get3A_140 = tpu.vector_load %arg8[%get3A_139] {strides = array<i32>} : memref<16192xf32, #tpu.memory_space<vmem>>, vector<16xf32>,
      %add3A_141 = arith.addf %add3A_121, %get3A_132 : vector<16xf32>
      %add3A_142 = arith.addf %add3A_122, %get3A_140 : vector<16xf32>
      %mul3A_143 = arith.mulf %get3A_132, %get3A_140 : vector<16xf32>
      %add3A_144 = arith.addf %add3A_124, %mul3A_143 : vector<16xf32>
      scf.yield %add3A_141, %add3A_142, %add3A_144 : vector<16xf32>, vector<16xf32>, vector<16xf32>
    }
    %while3A_55 = arith.constant 1 : i32
    %while3A_56:3 = scf.for %while3A_62 = %while3A_52 to %while3A_48 step %while3A_55 iter_args(%while3A_63 = %while3A_54#0, %while3A_64 = %while3A_54#1, %while3A_65 = %while3A_54#2) -> (vector<16xf32>, vector<16xf32>, vector<16xf32>)  : i32 {
      %mul3A_66 = arith.constant 4 : i32
      %mul3A_67 = arith.muli %while3A_62, %mul3A_66 : i32
      %add3A_68 = arith.constant 0 : i32
      %add3A_69 = arith.addi %mul3A_67, %add3A_68 : i32
      %mul3A_70 = arith.constant 16 : i32
      %mul3A_71 = arith.muli %add3A_69, %mul3A_70 : i32
      %get3A = arith.index_cast %mul3A_71 : i32 to index
      %get3A_72 = tpu.vector_load %arg7[%get3A] {strides = array<i32>} : memref<16192xf32, #tpu.memory_space<vmem>>, vector<16xf32>,
      %mul3A_73 = arith.constant 4 : i32
      %mul3A_74 = arith.muli %while3A_62, %mul3A_73 : i32
      %add3A_75 = arith.constant 0 : i32
      %add3A_76 = arith.addi %mul3A_74, %add3A_75 : i32
      %mul3A_77 = arith.constant 16 : i32
      %mul3A_78 = arith.muli %add3A_76, %mul3A_77 : i32
      %get3A_79 = arith.index_cast %mul3A_78 : i32 to index
      %get3A_80 = tpu.vector_load %arg8[%get3A_79] {strides = array<i32>} : memref<16192xf32, #tpu.memory_space<vmem>>, vector<16xf32>,
      %add3A_81 = arith.addf %while3A_63, %get3A_72 : vector<16xf32>
      %add3A_82 = arith.addf %while3A_64, %get3A_80 : vector<16xf32>
      %mul3A_83 = arith.mulf %get3A_72, %get3A_80 : vector<16xf32>
      %add3A_84 = arith.addf %while3A_65, %mul3A_83 : vector<16xf32>
      %mul3A_85 = arith.constant 4 : i32
      %mul3A_86 = arith.muli %while3A_62, %mul3A_85 : i32
      %add3A_87 = arith.constant 1 : i32
      %add3A_88 = arith.addi %mul3A_86, %add3A_87 : i32
      %mul3A_89 = arith.constant 16 : i32
      %mul3A_90 = arith.muli %add3A_88, %mul3A_89 : i32
      %get3A_91 = arith.index_cast %mul3A_90 : i32 to index
      %get3A_92 = tpu.vector_load %arg7[%get3A_91] {strides = array<i32>} : memref<16192xf32, #tpu.memory_space<vmem>>, vector<16xf32>,
      %mul3A_93 = arith.constant 4 : i32
      %mul3A_94 = arith.muli %while3A_62, %mul3A_93 : i32
      %add3A_95 = arith.constant 1 : i32
      %add3A_96 = arith.addi %mul3A_94, %add3A_95 : i32
      %mul3A_97 = arith.constant 16 : i32
      %mul3A_98 = arith.muli %add3A_96, %mul3A_97 : i32
      %get3A_99 = arith.index_cast %mul3A_98 : i32 to index
      %get3A_100 = tpu.vector_load %arg8[%get3A_99] {strides = array<i32>} : memref<16192xf32, #tpu.memory_space<vmem>>, vector<16xf32>,
      %add3A_101 = arith.addf %add3A_81, %get3A_92 : vector<16xf32>
      %add3A_102 = arith.addf %add3A_82, %get3A_100 : vector<16xf32>
      %mul3A_103 = arith.mulf %get3A_92, %get3A_100 : vector<16xf32>
      %add3A_104 = arith.addf %add3A_84, %mul3A_103 : vector<16xf32>
      %mul3A_105 = arith.constant 4 : i32
      %mul3A_106 = arith.muli %while3A_62, %mul3A_105 : i32
      %add3A_107 = arith.constant 2 : i32
      %add3A_108 = arith.addi %mul3A_106, %add3A_107 : i32
      %mul3A_109 = arith.constant 16 : i32
      %mul3A_110 = arith.muli %add3A_108, %mul3A_109 : i32
      %get3A_111 = arith.index_cast %mul3A_110 : i32 to index
      %get3A_112 = tpu.vector_load %arg7[%get3A_111] {strides = array<i32>} : memref<16192xf32, #tpu.memory_space<vmem>>, vector<16xf32>,
      %mul3A_113 = arith.constant 4 : i32
      %mul3A_114 = arith.muli %while3A_62, %mul3A_113 : i32
      %add3A_115 = arith.constant 2 : i32
      %add3A_116 = arith.addi %mul3A_114, %add3A_115 : i32
      %mul3A_117 = arith.constant 16 : i32
      %mul3A_118 = arith.muli %add3A_116, %mul3A_117 : i32
      %get3A_119 = arith.index_cast %mul3A_118 : i32 to index
      %get3A_120 = tpu.vector_load %arg8[%get3A_119] {strides = array<i32>} : memref<16192xf32, #tpu.memory_space<vmem>>, vector<16xf32>,
      %add3A_121 = arith.addf %add3A_101, %get3A_112 : vector<16xf32>
      %add3A_122 = arith.addf %add3A_102, %get3A_120 : vector<16xf32>
      %mul3A_123 = arith.mulf %get3A_112, %get3A_120 : vector<16xf32>
      %add3A_124 = arith.addf %add3A_104, %mul3A_123 : vector<16xf32>
      %mul3A_125 = arith.constant 4 : i32
      %mul3A_126 = arith.muli %while3A_62, %mul3A_125 : i32
      %add3A_127 = arith.constant 3 : i32
      %add3A_128 = arith.addi %mul3A_126, %add3A_127 : i32
      %mul3A_129 = arith.constant 16 : i32
      %mul3A_130 = arith.muli %add3A_128, %mul3A_129 : i32
      %get3A_131 = arith.index_cast %mul3A_130 : i32 to index
      %get3A_132 = tpu.vector_load %arg7[%get3A_131] {strides = array<i32>} : memref<16192xf32, #tpu.memory_space<vmem>>, vector<16xf32>,
      %mul3A_133 = arith.constant 4 : i32
      %mul3A_134 = arith.muli %while3A_62, %mul3A_133 : i32
      %add3A_135 = arith.constant 3 : i32
      %add3A_136 = arith.addi %mul3A_134, %add3A_135 : i32
      %mul3A_137 = arith.constant 16 : i32
      %mul3A_138 = arith.muli %add3A_136, %mul3A_137 : i32
      %get3A_139 = arith.index_cast %mul3A_138 : i32 to index
      %get3A_140 = tpu.vector_load %arg8[%get3A_139] {strides = array<i32>} : memref<16192xf32, #tpu.memory_space<vmem>>, vector<16xf32>,
      %add3A_141 = arith.addf %add3A_121, %get3A_132 : vector<16xf32>
      %add3A_142 = arith.addf %add3A_122, %get3A_140 : vector<16xf32>
      %mul3A_143 = arith.mulf %get3A_132, %get3A_140 : vector<16xf32>
      %add3A_144 = arith.addf %add3A_124, %mul3A_143 : vector<16xf32>
      scf.yield %add3A_141, %add3A_142, %add3A_144 : vector<16xf32>, vector<16xf32>, vector<16xf32>
    }
    %swap3A = arith.constant 0 : index
    %swap3A_57 = tpu.vector_load %arg9[%swap3A] {strides = array<i32>} : memref<48xf32, #tpu.memory_space<vmem>>, vector<16xf32>,
    tpu.vector_store %arg9[%swap3A], %while3A_56#0 {strides = array<i32>} : memref<48xf32, #tpu.memory_space<vmem>>, vector<16xf32>,
    %swap3A_58 = arith.constant 16 : index
    %swap3A_59 = tpu.vector_load %arg9[%swap3A_58] {strides = array<i32>} : memref<48xf32, #tpu.memory_space<vmem>>, vector<16xf32>,
    tpu.vector_store %arg9[%swap3A_58], %while3A_56#1 {strides = array<i32>} : memref<48xf32, #tpu.memory_space<vmem>>, vector<16xf32>,
    %swap3A_60 = arith.constant 32 : index
    %swap3A_61 = tpu.vector_load %arg9[%swap3A_60] {strides = array<i32>} : memref<48xf32, #tpu.memory_space<vmem>>, vector<16xf32>,
    tpu.vector_store %arg9[%swap3A_60], %while3A_56#2 {strides = array<i32>} : memref<48xf32, #tpu.memory_space<vmem>>, vector<16xf32>,
    "tpu.region"() ({
      %run_scoped3A = tpu.sem_alloc : memref<!tpu.dma_semaphore, #tpu.memory_space<semaphore_mem>>
      %dma_start3A_62 = arith.constant 0 : i32
      %dma_start3A_63 = tpu.memref_slice %arg4[%add3A, %dma_start3A_62] : memref<32x48xf32, #tpu.memory_space<hbm>> -> memref<1x48xf32, #tpu.memory_space<hbm>>
      %dma_start3A_64 = tpu.memref_squeeze %dma_start3A_63 : memref<1x48xf32, #tpu.memory_space<hbm>> -> memref<48xf32, #tpu.memory_space<hbm>>
      %dma_start3A_65 = arith.constant 0 : i32
      %dma_start3A_66 = tpu.memref_slice %arg4[%add3A, %dma_start3A_65] : memref<32x48xf32, #tpu.memory_space<hbm>> -> memref<1x48xf32, #tpu.memory_space<hbm>>
      %dma_start3A_67 = tpu.memref_squeeze %dma_start3A_66 : memref<1x48xf32, #tpu.memory_space<hbm>> -> memref<48xf32, #tpu.memory_space<hbm>>
      tpu.enqueue_dma source(%arg9 : memref<48xf32, #tpu.memory_space<vmem>>) target(%dma_start3A_67 : memref<48xf32, #tpu.memory_space<hbm>>) target_semaphore(%run_scoped3A : memref<!tpu.dma_semaphore, #tpu.memory_space<semaphore_mem>>)
      %dma_wait3A_68 = arith.constant 0 : i32
      %dma_wait3A_69 = tpu.memref_slice %arg4[%add3A, %dma_wait3A_68] : memref<32x48xf32, #tpu.memory_space<hbm>> -> memref<1x48xf32, #tpu.memory_space<hbm>>
      %dma_wait3A_70 = tpu.memref_squeeze %dma_wait3A_69 : memref<1x48xf32, #tpu.memory_space<hbm>> -> memref<48xf32, #tpu.memory_space<hbm>>
      %dma_wait3A_71 = arith.constant 0 : i32
      %dma_wait3A_72 = tpu.memref_slice %arg4[%add3A, %dma_wait3A_71] : memref<32x48xf32, #tpu.memory_space<hbm>> -> memref<1x48xf32, #tpu.memory_space<hbm>>
      %dma_wait3A_73 = tpu.memref_squeeze %dma_wait3A_72 : memref<1x48xf32, #tpu.memory_space<hbm>> -> memref<48xf32, #tpu.memory_space<hbm>>
      tpu.wait_dma2 semaphore(%run_scoped3A : memref<!tpu.dma_semaphore, #tpu.memory_space<semaphore_mem>>) src(%arg9 : memref<48xf32, #tpu.memory_space<vmem>>) dst(%dma_wait3A_73 : memref<48xf32, #tpu.memory_space<hbm>>)
      tpu.yield
    }) : () -> ()
    return
  }
}

module attributes {stable_mosaic.version = 14 : i64} {
  func.func @_tc_fill(%arg0: memref<625x1600xf32, #tpu.memory_space<vmem>>, %arg1: memref<1x3x512x512xf32, #tpu.memory_space<vmem>>) attributes {dimension_semantics = [], scalar_prefetch = 0 : i64, scratch_operands = 0 : i64, tpu.core_type = #tpu.core_type<tc>} {
    %broadcast_in_dim3A = arith.constant 1.000000e+00 : f32
    %broadcast_in_dim3A_0 = vector.broadcast %broadcast_in_dim3A : f32 to vector<625x1600xf32>
    %swap3A = arith.constant 0 : index
    %swap3A_1 = arith.constant 0 : index
    %swap3A_2 = vector.load %arg0[%swap3A, %swap3A_1] : memref<625x1600xf32, #tpu.memory_space<vmem>>, vector<625x1600xf32>
    tpu.vector_store %arg0[%swap3A, %swap3A_1], %broadcast_in_dim3A_0 {strides = array<i32>} : memref<625x1600xf32, #tpu.memory_space<vmem>>, vector<625x1600xf32>,
    %broadcast_in_dim3A_3 = arith.constant 0.000000e+00 : f32
    %broadcast_in_dim3A_4 = vector.broadcast %broadcast_in_dim3A_3 : f32 to vector<1x3x512x512xf32>
    %swap3A_5 = arith.constant 0 : index
    %swap3A_6 = arith.constant 0 : index
    %swap3A_7 = arith.constant 0 : index
    %swap3A_8 = arith.constant 0 : index
    %swap3A_9 = vector.load %arg1[%swap3A_5, %swap3A_6, %swap3A_7, %swap3A_8] : memref<1x3x512x512xf32, #tpu.memory_space<vmem>>, vector<1x3x512x512xf32>
    tpu.vector_store %arg1[%swap3A_5, %swap3A_6, %swap3A_7, %swap3A_8], %broadcast_in_dim3A_4 {strides = array<i32>} : memref<1x3x512x512xf32, #tpu.memory_space<vmem>>, vector<1x3x512x512xf32>,
    return
  }
}

module attributes {stable_mosaic.version = 14 : i64} {
  func.func @_tc_corner(%arg0: i32, %arg1: memref<1x3x8x128xf32, #tpu.memory_space<vmem>>, %arg2: memref<32x48xf32, #tpu.memory_space<vmem>>, %arg3: memref<1x3x8x128xf32, #tpu.memory_space<vmem>>, %arg4: memref<1x3x8x128xf32, #tpu.memory_space<vmem>>) attributes {dimension_semantics = [#tpu.dimension_semantics<arbitrary>], iteration_bounds = array<i64: 1>, scalar_prefetch = 0 : i64, scratch_operands = 0 : i64, tpu.core_type = #tpu.core_type<tc>, window_params = [{transform_indices = @transform_0, window_bounds = array<i64: 1, 3, 8, 128>}, {pipeline_mode = #tpu.pipeline_mode<synchronous>, transform_indices = @transform_1, window_bounds = array<i64: 32, 48>}, {transform_indices = @transform_2, window_bounds = array<i64: 1, 3, 8, 128>}, {transform_indices = @transform_3, window_bounds = array<i64: 1, 3, 8, 128>}]} {
    %get3A = arith.constant 0 : index
    %get3A_0 = arith.constant 0 : index
    %get3A_1 = vector.load %arg2[%get3A, %get3A_0] : memref<32x48xf32, #tpu.memory_space<vmem>>, vector<32x48xf32>
    %iota3A = tpu.iota {dimensions = array<i32: 1>} : vector<32x48xi32>
    %lt3A = arith.constant 16 : i32
    %lt3A_2 = vector.broadcast %lt3A : i32 to vector<32x48xi32>
    %lt3A_3 = arith.cmpi slt, %iota3A, %lt3A_2 : vector<32x48xi32>
    %jit3A = arith.constant 0.000000e+00 : f32
    %broadcast_in_dim3A = vector.broadcast %jit3A : f32 to vector<32x48xf32>
    %select_n3A = arith.select %lt3A_3, %get3A_1, %broadcast_in_dim3A : vector<32x48xi1>, vector<32x48xf32>
    %reduce_sum3A = vector.shape_cast %select_n3A : vector<32x48xf32> to vector<1x32x48xf32>
    %reduce_sum3A_4 = arith.constant dense<0.000000e+00> : vector<1xf32>
    %reduce_sum3A_5 = vector.multi_reduction <add>, %reduce_sum3A, %reduce_sum3A_4 [1, 2] : vector<1x32x48xf32> to vector<1xf32>
    %reduce_sum3A_6 = vector.shape_cast %reduce_sum3A_5 : vector<1xf32> to vector<1x1x1xf32>
    %reduce_sum3A_7 = vector.extract %reduce_sum3A_6[0, 0, 0] : f32 from vector<1x1x1xf32>
    %ge3A = arith.constant 16 : i32
    %ge3A_8 = vector.broadcast %ge3A : i32 to vector<32x48xi32>
    %ge3A_9 = arith.cmpi sge, %iota3A, %ge3A_8 : vector<32x48xi32>
    %lt3A_10 = arith.constant 32 : i32
    %lt3A_11 = vector.broadcast %lt3A_10 : i32 to vector<32x48xi32>
    %lt3A_12 = arith.cmpi slt, %iota3A, %lt3A_11 : vector<32x48xi32>
    %and3A = arith.andi %ge3A_9, %lt3A_12 : vector<32x48xi1>
    %jit3A_13 = arith.constant 0.000000e+00 : f32
    %broadcast_in_dim3A_14 = vector.broadcast %jit3A_13 : f32 to vector<32x48xf32>
    %select_n3A_15 = arith.select %and3A, %get3A_1, %broadcast_in_dim3A_14 : vector<32x48xi1>, vector<32x48xf32>
    %reduce_sum3A_16 = vector.shape_cast %select_n3A_15 : vector<32x48xf32> to vector<1x32x48xf32>
    %reduce_sum3A_17 = arith.constant dense<0.000000e+00> : vector<1xf32>
    %reduce_sum3A_18 = vector.multi_reduction <add>, %reduce_sum3A_16, %reduce_sum3A_17 [1, 2] : vector<1x32x48xf32> to vector<1xf32>
    %reduce_sum3A_19 = vector.shape_cast %reduce_sum3A_18 : vector<1xf32> to vector<1x1x1xf32>
    %reduce_sum3A_20 = vector.extract %reduce_sum3A_19[0, 0, 0] : f32 from vector<1x1x1xf32>
    %ge3A_21 = arith.constant 32 : i32
    %ge3A_22 = vector.broadcast %ge3A_21 : i32 to vector<32x48xi32>
    %ge3A_23 = arith.cmpi sge, %iota3A, %ge3A_22 : vector<32x48xi32>
    %jit3A_24 = arith.constant 0.000000e+00 : f32
    %broadcast_in_dim3A_25 = vector.broadcast %jit3A_24 : f32 to vector<32x48xf32>
    %select_n3A_26 = arith.select %ge3A_23, %get3A_1, %broadcast_in_dim3A_25 : vector<32x48xi1>, vector<32x48xf32>
    %reduce_sum3A_27 = vector.shape_cast %select_n3A_26 : vector<32x48xf32> to vector<1x32x48xf32>
    %reduce_sum3A_28 = arith.constant dense<0.000000e+00> : vector<1xf32>
    %reduce_sum3A_29 = vector.multi_reduction <add>, %reduce_sum3A_27, %reduce_sum3A_28 [1, 2] : vector<1x32x48xf32> to vector<1xf32>
    %reduce_sum3A_30 = vector.shape_cast %reduce_sum3A_29 : vector<1xf32> to vector<1x1x1xf32>
    %reduce_sum3A_31 = vector.extract %reduce_sum3A_30[0, 0, 0] : f32 from vector<1x1x1xf32>
    %sub3A = arith.constant 1.000000e+06 : f32
    %sub3A_32 = arith.subf %sub3A, %reduce_sum3A_7 : f32
    %sub3A_33 = arith.subf %sub3A_32, %reduce_sum3A_20 : f32
    %add3A = arith.addf %sub3A_33, %reduce_sum3A_31 : f32
    %sub3A_34 = arith.subf %reduce_sum3A_7, %reduce_sum3A_31 : f32
    %sub3A_35 = arith.subf %reduce_sum3A_20, %reduce_sum3A_31 : f32
    %iota3A_36 = tpu.iota {dimensions = array<i32: 0>} : vector<8x128xi32>
    %iota3A_37 = tpu.iota {dimensions = array<i32: 1>} : vector<8x128xi32>
    %eq3A = arith.constant 0 : i32
    %eq3A_38 = vector.broadcast %eq3A : i32 to vector<8x128xi32>
    %eq3A_39 = arith.cmpi eq, %iota3A_36, %eq3A_38 : vector<8x128xi32>
    %eq3A_40 = arith.constant 0 : i32
    %eq3A_41 = vector.broadcast %eq3A_40 : i32 to vector<8x128xi32>
    %eq3A_42 = arith.cmpi eq, %iota3A_37, %eq3A_41 : vector<8x128xi32>
    %and3A_43 = arith.andi %eq3A_39, %eq3A_42 : vector<8x128xi1>
    %eq3A_44 = arith.constant 0 : i32
    %eq3A_45 = vector.broadcast %eq3A_44 : i32 to vector<8x128xi32>
    %eq3A_46 = arith.cmpi eq, %iota3A_36, %eq3A_45 : vector<8x128xi32>
    %eq3A_47 = arith.constant 1 : i32
    %eq3A_48 = vector.broadcast %eq3A_47 : i32 to vector<8x128xi32>
    %eq3A_49 = arith.cmpi eq, %iota3A_37, %eq3A_48 : vector<8x128xi32>
    %and3A_50 = arith.andi %eq3A_46, %eq3A_49 : vector<8x128xi1>
    %eq3A_51 = arith.constant 1 : i32
    %eq3A_52 = vector.broadcast %eq3A_51 : i32 to vector<8x128xi32>
    %eq3A_53 = arith.cmpi eq, %iota3A_36, %eq3A_52 : vector<8x128xi32>
    %eq3A_54 = arith.constant 0 : i32
    %eq3A_55 = vector.broadcast %eq3A_54 : i32 to vector<8x128xi32>
    %eq3A_56 = arith.cmpi eq, %iota3A_37, %eq3A_55 : vector<8x128xi32>
    %and3A_57 = arith.andi %eq3A_53, %eq3A_56 : vector<8x128xi1>
    %eq3A_58 = arith.constant 1 : i32
    %eq3A_59 = vector.broadcast %eq3A_58 : i32 to vector<8x128xi32>
    %eq3A_60 = arith.cmpi eq, %iota3A_36, %eq3A_59 : vector<8x128xi32>
    %eq3A_61 = arith.constant 1 : i32
    %eq3A_62 = vector.broadcast %eq3A_61 : i32 to vector<8x128xi32>
    %eq3A_63 = arith.cmpi eq, %iota3A_37, %eq3A_62 : vector<8x128xi32>
    %and3A_64 = arith.andi %eq3A_60, %eq3A_63 : vector<8x128xi1>
    %jit3A_65 = arith.constant 0.000000e+00 : f32
    %broadcast_in_dim3A_66 = vector.broadcast %reduce_sum3A_31 : f32 to vector<8x128xf32>
    %broadcast_in_dim3A_67 = vector.broadcast %jit3A_65 : f32 to vector<8x128xf32>
    %select_n3A_68 = arith.select %and3A_64, %broadcast_in_dim3A_66, %broadcast_in_dim3A_67 : vector<8x128xi1>, vector<8x128xf32>
    %broadcast_in_dim3A_69 = vector.broadcast %sub3A_35 : f32 to vector<8x128xf32>
    %select_n3A_70 = arith.select %and3A_57, %broadcast_in_dim3A_69, %select_n3A_68 : vector<8x128xi1>, vector<8x128xf32>
    %broadcast_in_dim3A_71 = vector.broadcast %sub3A_34 : f32 to vector<8x128xf32>
    %select_n3A_72 = arith.select %and3A_50, %broadcast_in_dim3A_71, %select_n3A_70 : vector<8x128xi1>, vector<8x128xf32>
    %broadcast_in_dim3A_73 = vector.broadcast %add3A : f32 to vector<8x128xf32>
    %select_n3A_74 = arith.select %and3A_43, %broadcast_in_dim3A_73, %select_n3A_72 : vector<8x128xi1>, vector<8x128xf32>
    %get3A_75 = arith.constant 0 : index
    %get3A_76 = arith.constant 0 : index
    %get3A_77 = arith.constant 0 : index
    %get3A_78 = arith.constant 0 : index
    %get3A_79 = vector.load %arg3[%get3A_75, %get3A_76, %get3A_77, %get3A_78] : memref<1x3x8x128xf32, #tpu.memory_space<vmem>>, vector<1x3x8x128xf32>
    %broadcast_in_dim3A_80 = vector.shape_cast %select_n3A_74 : vector<8x128xf32> to vector<1x1x8x128xf32>
    %mul3A = vector.broadcast %broadcast_in_dim3A_80 : vector<1x1x8x128xf32> to vector<1x3x8x128xf32>
    %mul3A_81 = arith.mulf %get3A_79, %mul3A : vector<1x3x8x128xf32>
    %swap3A = arith.constant 0 : index
    %swap3A_82 = arith.constant 0 : index
    %swap3A_83 = arith.constant 0 : index
    %swap3A_84 = arith.constant 0 : index
    %swap3A_85 = vector.load %arg4[%swap3A, %swap3A_82, %swap3A_83, %swap3A_84] : memref<1x3x8x128xf32, #tpu.memory_space<vmem>>, vector<1x3x8x128xf32>
    tpu.vector_store %arg4[%swap3A, %swap3A_82, %swap3A_83, %swap3A_84], %mul3A_81 {strides = array<i32>} : memref<1x3x8x128xf32, #tpu.memory_space<vmem>>, vector<1x3x8x128xf32>,
    return
  }
  func.func @transform_0(%arg0: i32) -> (i32, i32, i32, i32) {
    %c0_i32 = arith.constant 0 : i32
    %c0_i32_0 = arith.constant 0 : i32
    %c0_i32_1 = arith.constant 0 : i32
    %c0_i32_2 = arith.constant 0 : i32
    %c0_i32_3 = arith.constant 0 : i32
    return %c0_i32, %c0_i32_0, %c0_i32_1, %c0_i32_2 : i32, i32, i32, i32
  }
  func.func @transform_1(%arg0: i32) -> (i32, i32) {
    %c0_i32 = arith.constant 0 : i32
    %c0_i32_0 = arith.constant 0 : i32
    %c0_i32_1 = arith.constant 0 : i32
    return %c0_i32, %c0_i32_0 : i32, i32
  }
  func.func @transform_2(%arg0: i32) -> (i32, i32, i32, i32) {
    %c0_i32 = arith.constant 0 : i32
    %c0_i32_0 = arith.constant 0 : i32
    %c0_i32_1 = arith.constant 0 : i32
    %c0_i32_2 = arith.constant 0 : i32
    %c0_i32_3 = arith.constant 0 : i32
    return %c0_i32, %c0_i32_0, %c0_i32_1, %c0_i32_2 : i32, i32, i32, i32
  }
  func.func @transform_3(%arg0: i32) -> (i32, i32, i32, i32) {
    %c0_i32 = arith.constant 0 : i32
    %c0_i32_0 = arith.constant 0 : i32
    %c0_i32_1 = arith.constant 0 : i32
    %c0_i32_2 = arith.constant 0 : i32
    %c0_i32_3 = arith.constant 0 : i32
    return %c0_i32, %c0_i32_0, %c0_i32_1, %c0_i32_2 : i32, i32, i32, i32
  }
}

</mosaic_0001>

<sc_bundles>
// kernel: kernel.5.cloned.1.call-start
scs
__scs_entry_jumppad:
0x0: {  	(pc) =	sbr.rel $0x88, $3  }
0x1: {  	(tag) =	ssettag $0x0;
	lr =	simm.s32 $0x1  }
0x2: {  	[smem:$0x3F9F] =	sst lr;
	_ =	strace $0xD0000000  }
0x3: {  	_ = 	snop  }
0x4: {  	_ = 	snop  }
0x5: {  	_ = 	snop  }
0x6: {  	_ = 	snop  }
0x7: {  	_ = 	snop  }
__scs_overlays_trampoline_lowered:
0x8: {  	[smem:$0x3FAE] =	sst s0  }
0x9: {  	[smem:$0x3FAF] =	sst s1  }
0xa: {  	[smem:$0x3FB0] =	sst s2  }
0xb: {  	[smem:$0x3FB1] =	sst s3  }
0xc: {  	[smem:$0x3FB2] =	sst s4  }
0xd: {  	[smem:$0x3FB3] =	sst s5  }
0xe: {  	[smem:$0x3FB4] =	sst s6  }
0xf: {  	[smem:$0x3FB5] =	sst s7  }
0x10: {  	[smem:$0x3FB6] =	sst s8  }
0x11: {  	[smem:$0x3FB7] =	sst s9;
	s0 =	simm.s32 @!p0 $0x0  }
0x12: {  	s1 =	sld [smem:$0x3F9D];
	s0 =	simm.s32 @p0 $0x1  }
0x13: {  	[smem:$0x3FB8] =	sst s0;
	s0 =	simm.s32 @!p1 $0x0  }
0x14: {  	s2 =	sld [smem:$0x3F9C];
	s0 =	simm.s32 @p1 $0x1  }
0x15: {  	[smem:$0x3FB9] =	sst s0;
	s0 =	simm.s32 @!p2 $0x0  }
0x16: {  	s3 =	sld [smem:$0x3FDB];
	s0 =	simm.s32 @p2 $0x1  }
0x17: {  	s4 =	simm.s32 $0x1BF5;
	[smem:$0x3FBB] =	sst s0  }
0x18: {  	s0 =	sld [smem:$0x3F9E];
	_ =	swait.ge [sflag:s4], $0x0  }
0x19: {  	s7 =	sld [smem:$0x3F9F]  }
0x1a: {  	s8 =	sadd.s32 $0xFFFFE003, lr  }
0x1b: {  	s9 =	sadd.s32 $0xFFFFFEF7, lr;
	s5 =	simm.s32 $0xFFFFFFFF;
	p2 =	slt.u32 s8, $0xFFFFF086  }
0x1c: {  	p1 =	slt.u32 s9, $0xF7A;
	s5 =	simm.s32 @!p2 $0x0  }
0x1d: {  	s5 =	simm.s32 @p1 $0x1;
	p0 =	seq.s32 s7, s2  }
0x1e: {  	s7 =	smul.u32 @!p0 $0xF7A, s2;
	p2 =	seq.s32 @!p0 s5, $0x0  }
0x1f: {  	s9 =	smul.u32 $0xF7A, s1;
	s8 =	simm.s32 @!p0 $0x1BF5;
	p2 =	por !p2, p0  }
0x20: {  	[sflag:s8] =	ssyncset.s32 @!p0 $0xFFFFF086;
	s6 =	sadd.s32 @!p0 s3, s7;
	s7 =	simm.s32 @!p0 $0x108  }
0x21: {  	s3 =	sadd.s32 s3, s9;
	s6 =	sadd.s32 @!p0 $0x88, s6;
	s7 =	simm.s32 @p2 $0x1082  }
0x22: {  	[simem:s7], [sflag:s8] =	dma.local @!p0 [hbm:s6], $0xF7A  }
0x23: {  	s9 =	sor.u32 $0xD0000000, s2;
	s6 =	simm.s32 $0x108;
	_ =	swait.ge @!p0 [sflag:s8], $0x0  }
0x24: {  	s3 =	sadd.s32 $0x88, s3;
	s6 =	simm.s32 @!p1 $0x1082;
	[sflag:s4] =	ssyncset.s32 $0xFFFFF086  }
0x25: {  	[simem:s6], [sflag:s4] =	dma.local [hbm:s3], $0xF7A  }
0x26: {  	[smem:$0x3F9F] =	sst s1;
	(tag) =	ssettag s2;
	_ =	strace s9  }
0x27: {  	s1 =	sld [smem:$0x3FAF]  }
0x28: {  	s2 =	sld [smem:$0x3FB0]  }
0x29: {  	s4 =	sld [smem:$0x3FB2]  }
0x2a: {  	p0 =	seq.s32 s5, $0x0;
	s5 =	sld [smem:$0x3FB3]  }
0x2b: {  	s6 =	sld [smem:$0x3FB4]  }
0x2c: {  	s7 =	sld [smem:$0x3FB5]  }
0x2d: {  	s3 =	simm.s32 $0x108;
	s8 =	sld [smem:$0x3FB6]  }
0x2e: {  	s3 =	simm.s32 @!p0 $0x1082;
	s9 =	sld [smem:$0x3FB7]  }
0x2f: {  	lr =	sadd.s32 s0, s3;
	s0 =	sld [smem:$0x3FAE]  }
0x30: {  	s3 =	sld [smem:$0x3FB1]  }
0x31: {  	[smem:$0x3FBA] =	sst s10  }
0x32: {  	s10 =	sld [smem:$0x3FB8];
	_ =	sdelay $0x3  }
0x33: {  	p0 =	seq.s32 s10, $0x1;
	s10 =	sld [smem:$0x3FBA];
	_ =	sdelay $0x3  }
0x34: {  	[smem:$0x3FBA] =	sst s10  }
0x35: {  	s10 =	sld [smem:$0x3FB9];
	_ =	sdelay $0x3  }
0x36: {  	p1 =	seq.s32 s10, $0x1;
	s10 =	sld [smem:$0x3FBA];
	_ =	sdelay $0x3  }
0x37: {  	[smem:$0x3FBA] =	sst s10  }
0x38: {  	s10 =	sld [smem:$0x3FBB]  }
0x39: {  	_ = 	snop;
	(pc) =	sbr.ind lr, $3  }
0x3a: {  	_ = 	snop  }
0x3b: {  	_ = 	snop  }
0x3c: {  	p2 =	seq.s32 s10, $0x1;
	s10 =	sld [smem:$0x3FBA]  }
0x3d: {  	_ =	shalt  }
0x3e: {  	_ =	shalt  }
0x3f: {  	_ =	shalt  }
0x40: {  	_ =	shalt  }
0x41: {  	_ =	shalt  }
0x42: {  	_ =	shalt  }
0x43: {  	_ =	shalt  }
0x44: {  	_ =	shalt  }
0x45: {  	_ =	shalt  }
0x46: {  	_ =	shalt  }
0x47: {  	_ =	shalt  }
0x48: {  	_ =	shalt  }
0x49: {  	_ =	shalt  }
0x4a: {  	_ =	shalt  }
0x4b: {  	_ =	shalt  }
0x4c: {  	_ =	shalt  }
0x4d: {  	_ =	shalt  }
0x4e: {  	_ =	shalt  }
0x4f: {  	_ =	shalt  }
0x50: {  	_ =	shalt  }
0x51: {  	_ =	shalt  }
0x52: {  	_ =	shalt  }
0x53: {  	_ =	shalt  }
0x54: {  	_ =	shalt  }
0x55: {  	_ =	shalt  }
0x56: {  	_ =	shalt  }
0x57: {  	_ =	shalt  }
0x58: {  	_ =	shalt  }
0x59: {  	_ =	shalt  }
0x5a: {  	_ =	shalt  }
0x5b: {  	_ =	shalt  }
0x5c: {  	_ =	shalt  }
0x5d: {  	_ =	shalt  }
0x5e: {  	_ =	shalt  }
0x5f: {  	_ =	shalt  }
0x60: {  	_ =	shalt  }
0x61: {  	_ =	shalt  }
0x62: {  	_ =	shalt  }
0x63: {  	_ =	shalt  }
0x64: {  	_ =	shalt  }
0x65: {  	_ =	shalt  }
0x66: {  	_ =	shalt  }
0x67: {  	_ =	shalt  }
0x68: {  	_ =	shalt  }
0x69: {  	_ =	shalt  }
0x6a: {  	_ =	shalt  }
0x6b: {  	_ =	shalt  }
0x6c: {  	_ =	shalt  }
0x6d: {  	_ =	shalt  }
0x6e: {  	_ =	shalt  }
0x6f: {  	_ =	shalt  }
0x70: {  	_ =	shalt  }
0x71: {  	_ =	shalt  }
0x72: {  	_ =	shalt  }
0x73: {  	_ =	shalt  }
0x74: {  	_ =	shalt  }
0x75: {  	_ =	shalt  }
0x76: {  	_ =	shalt  }
0x77: {  	_ =	shalt  }
0x78: {  	_ =	shalt  }
0x79: {  	_ =	shalt  }
0x7a: {  	_ =	shalt  }
0x7b: {  	_ =	shalt  }
0x7c: {  	_ =	shalt  }
0x7d: {  	_ =	shalt  }
0x7e: {  	_ =	shalt  }
0x7f: {  	_ =	shalt  }
0x80: {  	_ =	shalt  }
0x81: {  	_ =	shalt  }
0x82: {  	_ =	shalt  }
0x83: {  	_ =	shalt  }
0x84: {  	_ =	shalt  }
0x85: {  	_ =	shalt  }
0x86: {  	_ =	shalt  }
0x87: {  	_ =	shalt  }
.Lfunc_end0:
.L_simem_size_0:
called_computation_lowered:
.L_overlay_start_0:
0x88: {  	s2 =	sld [smem:$0x3FD9]  }
0x89: {  	s3 =	sld [smem:$0x3FFE];
	_ =	sdelay $0x1  }
0x8a: {  	s1 =	srdreg.scid  }
0x8b: {  	s0 =	sand.u32 $0x1, s1  }
0x8c: {  	s16 =	sshll.u32 s0, $0xA;
	s2 =	sadd.s32 s3, s2  }
0x8d: {  	s2 =	sadd.s32 s2, s16  }
0x8e: {  	[smem:$0x3FC6] =	sst s2  }
0x8f: {  	_ = 	snop  }
0x90: {  	(tm) =	ssettm $0x1  }
0x91: {  	s17 =	sld [smem:$0x3FFB];
	_ =	sdelay $0x3  }
0x92: {  	_ =	strace s17  }
0x93: {  	s2 =	sld [smem:$0x3FFC];
	_ =	sdelay $0x3  }
0x94: {  	_ =	strace s2  }
0x95: {  	s2 =	sld [smem:$0x3FFD];
	_ =	sdelay $0x3  }
0x96: {  	_ =	strace s2  }
0x97: {  	_ =	strace $0x8FFFFFFF  }
0x98: {  	s18 =	sld [smem:$0x3FDB];
	_ =	sdelay $0x1  }
0x99: {  	s19 =	simm.s32 $_scs_section_size  }
0x9a: {  	s4 =	simm.s32 $_size__tile_overlayer_lowered;
	s5 =	simm.s32 $_tile_overlayer_lowered  }
0x9b: {  	s22 =	simm.s32 $0x1BFF;
	s21 =	sshll.u32 s5, $0x1;
	s2 =	sadd.s32 s19, s18  }
0x9c: {  	s6 =	simm.s32 $0x0;
	s20 =	sshll.u32 s4, $0x1;
	s4 =	sadd.s32 s21, s2  }
0x9d: {  	[timem:s6], [sflag:s22] =	dma.local [hbm:s4], s20  }
0x9e: {  	_ =	swait.ge [sflag:s22], s20  }
0x9f: {  	s3 =	ssub.s32 $0x0, s20;
	[sflag:s22] =	ssyncset.done $0x0  }
0xa0: {  	[sflag:s22] =	ssyncadd.s32 s3;
	_ =	sdelay $0x1  }
0xa1: {  	s23 =	simm.s32 $0x1B8B  }
0xa2: {  	_ =	swait.ge [sflag:s23], $0x1  }
0xa3: {  	[sflag:s23] =	ssyncset.done $0x0  }
0xa4: {  	s25 =	simm.s32 $0x1B8E;
	s24 =	sld [smem:$0x3FFE];
	[sflag:s23] =	ssyncadd.s32 $0xFFFFFFFF  }
0xa5: {  	s26 =	simm.s32 $execute0_lowered;
	[smem:$0x3FD2] =	sst s25  }
0xa6: {  	s4 =	sshll.u32 s26, $0x1;
	_ =	strace $0x80000046;
	[dreg:$0x1] =	wrdreg $0xFFFFFFFF  }
0xa7: {  	s28 =	simm.s32 $_size_execute0_lowered;
	s2 =	sadd.s32 s2, s4;
	[dreg:$0x0] =	wrdreg $0x0  }
0xa8: {  	s4 =	sshll.u32 s28, $0x1;
	[dreg:$0x2] =	wrdreg s2  }
0xa9: {  	[dreg:$0x3] =	wrdreg s4  }
0xaa: {  	[dreg:$0x4] =	wrdreg $0xC0  }
0xab: {  	_ =	task [dreg:s6], $0x5FFFF  }
0xac: {  	[dreg:$0x1] =	wrdreg $0xFFFFFFFF  }
0xad: {  	[dreg:$0x0] =	wrdreg $0x60  }
0xae: {  	[dreg:$0x2] =	wrdreg s24  }
0xaf: {  	[dreg:$0x3] =	wrdreg $0x9  }
0xb0: {  	_ =	task.clear_ibuf [dreg:s6], $0x4FFFF;
	_ =	strace $0x90000046  }
0xb1: {  	s29 =	simm.s32 $0x9;
	_ =	strace $0x80000048  }
0xb2: {  	_ =	swait.ge [sflag:s29], $0x1  }
0xb3: {  	[sflag:s29] =	ssyncadd.s32 $0xFFFFFFFF  }
0xb4: {  	_ =	strace $0x90000048  }
0xb5: {  	_ =	sfence  }
0xb6: {  	s30 =	sld [smem:$0x0];
	_ =	sdelay $0x2  }
0xb7: {  	s31 =	sshll.u32 s1, $0xD;
	s1 =	sshrl.u32 s1, $0x2  }
0xb8: {  	s3 =	sand.u32 $0x4000, s31;
	s1 =	sadd.s32 s1, s30  }
0xb9: {  	s0 =	sor.u32 s3, s0;
	s1 =	sshll.u32 s1, $0x11  }
0xba: {  	s0 =	sor.u32 s1, s0  }
0xbb: {  	s0 =	sadd.s32 $0x8F2B, s0  }
0xbc: {  	[sflag:s0] =	ssyncadd.remote.s32 $0x1  }
0xbd: {  	_ =	sfence.sel $0xFFFF  }
0xbe: {  	[dreg:$0x0] =	wrdreg $0xFFFFFFFF;
	(pc) =	sbr.abs _section_cstart, $3  }
0xbf: {  	[dreg:$0x1] =	wrdreg $0xFFFFFFFF  }
0xc0: {  	_ =	task.clear_ibuf [dreg:s6], $0x2FFFF;
	_ =	strace $0x9FFFFFFF  }
0xc1: {  	(tm) =	ssettm $0x7FFFFFFF  }
tec
execute0_lowered:
.L_overlay_start_1:
0x0: {  	(tag) =	ssettag $0x1  }
0x1: {  	s1 =	srdreg.scid;
	s0 =	stileid.u32  }
0x2: {  	s7 =	rddreg [dreg:$0x0];
	s2 =	simm.s32 $0x0;
	s12 =	simm.s32 $0xB940  }
0x3: {  	s13 =	simm.s32 $0x1;
	s14 =	simm.s32 $0x2;
	s15 =	simm.s32 $0x3  }
0x4: {  	s16 =	simm.s32 $0x4;
	s17 =	simm.s32 $0xF880;
	s18 =	simm.s32 $0x5  }
0x5: {  	s3 =	sand.u32 $0x1, s1;
	s30 =	sshll.u32 s0, $0x1;
	s1 =	rddreg [dreg:$0x1]  }
0x6: {  	s19 =	simm.s32 $0x0;
	[smem:$0x7FF] =	sst s2;
	s5 =	sor.u32 s3, s30  }
0x7: {  	s8 =	sadd.s32 $0x1EA00, s7;
	s3 =	ssub.s32 $0x2, s3;
	s4 =	smul.u32 $0x6, s5  }
0x8: {  	_ =	strace $0x80000047;
	s6 =	smul.u32 $0x7A00, s5;
	s31 =	sshrl.u32 s3, $0x1  }
0x9: {  	p0 =	seq.s32 s5, $0x1F;
	s5 =	simm.s32 $0xFD;
	s10 =	ssub.s32 s3, s31  }
0xa: {  	s5 =	simm.s32 @!p0 $0xF4;
	s9 =	sadd.s32 s4, s7;
	s6 =	sshrl.u32 s6, $0x3  }
0xb: {  	s3 =	sadd.s32 s8, s6;
	s4 =	sadd.s32 s7, s6;
	s11 =	sadd.s32 $0x7A0, s6  }
0xc: {  	s6 =	sadd.s32 s8, s11;
	s7 =	sadd.s32 s7, s11;
	s8 =	sadd.s32 $0x3D400, s9  }
0xd: {  	s9 =	smax.u32 s10, $0x1;
	s10 =	simm.s32 $0x3D00;
	s11 =	simm.s32 $0x7A00  }
.LBB2_1:
0xe: {  	[tilespmem:s2], [sflag:$0x1] =	stream.linear.gather [hbm4b:s3+s2], $0x3D00, $0x38;
	[tilespmem:$0xF8B0] =	vst v63  }
0xf: {  	_ = 	snop  }
0x10: {  	[tilespmem:s10], [sflag:$0x2] =	stream.linear.gather [hbm4b:s4+s2], $0x3D00, $0x38;
	[tilespmem:$0xF8B0] =	vst v63  }
0x11: {  	_ = 	snop  }
0x12: {  	[tilespmem:s11], [sflag:$0x3] =	stream.linear.gather [hbm4b:s6+s2], $0x3F40, $0x38;
	[tilespmem:$0xF8B0] =	vst v63  }
0x13: {  	_ = 	snop  }
0x14: {  	[tilespmem:s12], [sflag:$0x4] =	stream.linear.gather [hbm4b:s7+s2], $0x3F40, $0x38;
	[tilespmem:$0xF8B0] =	vst v63  }
0x15: {  	_ =	swait.ge [sflag:s13], $0x3D00  }
0x16: {  	[sflag:s13] =	ssyncset.done $0x0  }
0x17: {  	[sflag:s13] =	ssyncadd.s32 $0xFFFFC300  }
0x18: {  	_ =	swait.ge [sflag:s14], $0x3D00  }
0x19: {  	[sflag:s14] =	ssyncset.done $0x0  }
0x1a: {  	s21 =	simm.s32 $0x0;
	[sflag:s14] =	ssyncadd.s32 $0xFFFFC300  }
0x1b: {  	v0 =	vld [tilespmem:s21+$0x0]  }
0x1c: {  	v8 =	vld [tilespmem:s21+$0x3D00]  }
0x1d: {  	v5 =	vld [tilespmem:s21+$0x10]  }
0x1e: {  	v6 =	vld [tilespmem:s21+$0x3D10]  }
0x1f: {  	v2 =	vld [tilespmem:s21+$0x20]  }
0x20: {  	v4 =	vld [tilespmem:s21+$0x3D20]  }
0x21: {  	v9 =	vimm.f32 $0.0e+00;
	v1 =	vld [tilespmem:s21+$0x30];
	v10 =	vmul.f32 v8, v0  }
0x22: {  	s20 =	simm.s32 $0x40;
	v3 =	vld [tilespmem:s21+$0x3D30];
	v7 =	vadd.f32 v0, v9  }
0x23: {  	s21 =	simm.s32 $0x200;
	v0 =	vld [tilespmem:s20+$0x0];
	v8 =	vadd.f32 v8, v9;
	v9 =	vadd.f32 v10, v9;
	v10 =	vmul.f32 v6, v5  }
.LBB2_2:
0x24: {  	p0 =	sne.s32 s21, $0xF300;
	v11 =	vld [tilespmem:s20+$0x3D00];
	v7 =	vadd.f32 v5, v7  }
0x25: {  	v5 =	vld [tilespmem:s20+$0x10];
	v8 =	vadd.f32 v6, v8;
	v9 =	vadd.f32 v10, v9;
	v10 =	vmul.f32 v4, v2  }
0x26: {  	v6 =	vld [tilespmem:s20+$0x3D10];
	v7 =	vadd.f32 v2, v7  }
.Ltmp0:
0x27: {  	v2 =	vld [tilespmem:s20+$0x20];
	v8 =	vadd.f32 v4, v8;
	v9 =	vadd.f32 v10, v9;
	v10 =	vmul.f32 v3, v1;
	(pc) =	sbr.rel @p0 .LBB2_2-.Ltmp0, $4  }
0x28: {  	v4 =	vld [tilespmem:s20+$0x3D20];
	v7 =	vadd.f32 v1, v7  }
0x29: {  	v12 =	vmul.f32 v11, v0;
	v1 =	vld [tilespmem:s20+$0x30];
	v8 =	vadd.f32 v3, v8;
	v9 =	vadd.f32 v10, v9  }
0x2a: {  	v7 =	vadd.f32 v0, v7;
	v3 =	vld [tilespmem:s20+$0x3D30];
	s20 =	sshra.s32 s21, $0x2  }
0x2b: {  	s21 =	sadd.s32 $0x100, s21;
	v0 =	vld [tilespmem:s20+$0x0];
	v8 =	vadd.f32 v11, v8;
	v9 =	vadd.f32 v12, v9;
	v10 =	vmul.f32 v6, v5  }
0x2c: {  	v11 =	vld [tilespmem:s20+$0x3D00];
	v5 =	vadd.f32 v5, v7  }
0x2d: {  	v7 =	vld [tilespmem:s20+$0x10];
	v6 =	vadd.f32 v6, v8;
	v59 =	vadd.f32 v10, v9;
	v60 =	vmul.f32 v4, v2  }
0x2e: {  	v61 =	vld [tilespmem:s20+$0x3D10];
	v2 =	vadd.f32 v2, v5  }
0x2f: {  	v63 =	vld [tilespmem:s20+$0x3D20];
	v4 =	vadd.f32 v4, v6;
	v6 =	vadd.f32 v60, v59;
	v62 =	vmul.f32 v3, v1  }
0x30: {  	v5 =	vld [tilespmem:s20+$0x20];
	v1 =	vadd.f32 v1, v2  }
0x31: {  	v2 =	vld [tilespmem:s20+$0x30];
	v12 =	vmul.f32 v11, v0;
	v3 =	vadd.f32 v3, v4;
	v4 =	vadd.f32 v62, v6  }
0x32: {  	v6 =	vld [tilespmem:s20+$0x3D30];
	_ =	swait.ge [sflag:s15], $0x3F40;
	v0 =	vadd.f32 v0, v1  }
0x33: {  	[sflag:s15] =	ssyncset.done $0x0;
	v1 =	vadd.f32 v11, v3;
	v3 =	vadd.f32 v12, v4;
	v4 =	vmul.f32 v61, v7  }
0x34: {  	p1 =	sne.s32 s5, $0x1;
	[sflag:s15] =	ssyncadd.s32 $0xFFFFC0C0;
	v0 =	vadd.f32 v7, v0  }
.Ltmp1:
0x35: {  	_ =	swait.ge [sflag:s16], $0x3F40;
	v1 =	vadd.f32 v61, v1;
	v3 =	vadd.f32 v4, v3;
	v4 =	vmul.f32 v63, v5;
	(pc) =	sbr.rel @!p1 .LBB2_4-.Ltmp1, $4  }
0x36: {  	[sflag:s16] =	ssyncset.done $0x0;
	v0 =	vadd.f32 v5, v0  }
0x37: {  	s20 =	simm.s32 $0x7A20;
	v7 =	vmul.f32 v6, v2;
	[sflag:s16] =	ssyncadd.s32 $0xFFFFC0C0;
	v5 =	vadd.f32 v63, v1;
	v4 =	vadd.f32 v4, v3  }
0x38: {  	s21 =	simm.s32 $0xB960;
	v3 =	vld [tilespmem:s20+$0xFFFFFFE0];
	v1 =	vadd.f32 v2, v0  }
0x39: {  	s22 =	sadd.s32 $0xFFFFFFFF, s5;
	p0 =	por $0x0, $0x0;
	v2 =	vadd.f32 v6, v5;
	v0 =	vadd.f32 v7, v4;
	v4 =	vld [tilespmem:s21+$0xFFFFFFE0]  }
0x3a: {  	v13 =	vld [tilespmem:s20+$0xFFFFFFF0]  }
0x3b: {  	v7 =	vld [tilespmem:s21+$0xFFFFFFF0]  }
0x3c: {  	v5 =	vld [tilespmem:s20+$0x0];
	p1 =	sne.s32 s22, $0x1  }
.Ltmp2:
0x3d: {  	v8 =	vld [tilespmem:s21+$0x0];
	(pc) =	sbr.rel @!p1 .LBB2_7-.Ltmp2, $4  }
0x3e: {  	v6 =	vld [tilespmem:s20+$0x10];
	v11 =	vmul.f32 v4, v3  }
0x3f: {  	v9 =	vld [tilespmem:s21+$0x10];
	s20 =	simm.s32 $0x7A60;
	v14 =	vadd.f32 v3, v1  }
0x40: {  	s21 =	simm.s32 $0xB9A0;
	v3 =	vld [tilespmem:s20+$0xFFFFFFE0];
	v10 =	vadd.f32 v4, v2;
	v12 =	vmul.f32 v7, v13;
	v11 =	vadd.f32 v11, v0  }
0x41: {  	s22 =	sadd.s32 $0xFFFFFFFF, s22;
	p0 =	por $0x1, $0x1;
	v4 =	vld [tilespmem:s21+$0xFFFFFFE0];
	v13 =	vadd.f32 v13, v14  }
.LBB2_6:
0x42: {  	p1 =	sne.s32 s22, $0x1;
	v14 =	vld [tilespmem:s20+$0xFFFFFFF0];
	v10 =	vadd.f32 v7, v10;
	v11 =	vadd.f32 v12, v11;
	v12 =	vmul.f32 v8, v5  }
0x43: {  	v7 =	vld [tilespmem:s21+$0xFFFFFFF0];
	v13 =	vadd.f32 v5, v13  }
0x44: {  	v5 =	vld [tilespmem:s20+$0x0];
	v10 =	vadd.f32 v8, v10;
	v11 =	vadd.f32 v12, v11;
	v12 =	vmul.f32 v9, v6  }
.Ltmp3:
0x45: {  	v8 =	vld [tilespmem:s21+$0x0];
	v13 =	vadd.f32 v6, v13;
	(pc) =	sbr.rel @p1 .LBB2_6-.Ltmp3, $4  }
0x46: {  	v15 =	vmul.f32 v4, v3;
	v6 =	vld [tilespmem:s20+$0x10];
	v10 =	vadd.f32 v9, v10;
	v11 =	vadd.f32 v12, v11  }
0x47: {  	s20 =	sadd.s32 $0x40, s20;
	v13 =	vadd.f32 v3, v13;
	v9 =	vld [tilespmem:s21+$0x10]  }
0x48: {  	s21 =	sadd.s32 $0x40, s21;
	v3 =	vld [tilespmem:s20+$0xFFFFFFE0];
	v10 =	vadd.f32 v4, v10;
	v11 =	vadd.f32 v15, v11;
	v12 =	vmul.f32 v7, v14  }
0x49: {  	s22 =	sadd.s32 $0xFFFFFFFF, s22;
	v4 =	vld [tilespmem:s21+$0xFFFFFFE0];
	v13 =	vadd.f32 v14, v13  }
.LBB2_7:
0x4a: {  	v7 =	vadd.f32 @p0 v7, v10  }
0x4b: {  	v10 =	vadd.f32 @p0 v12, v11;
	v11 =	vmul.f32 @p0 v8, v5;
	v5 =	vadd.f32 @p0 v5, v13  }
0x4c: {  	v54 =	vld [tilespmem:s20+$0xFFFFFFF0];
	v7 =	vadd.f32 @p0 v8, v7  }
0x4d: {  	v55 =	vld [tilespmem:s21+$0xFFFFFFF0];
	v10 =	vadd.f32 @p0 v11, v10;
	v11 =	vmul.f32 @p0 v9, v6;
	v5 =	vadd.f32 @p0 v6, v5  }
0x4e: {  	v56 =	vld [tilespmem:s20+$0x0];
	v7 =	vadd.f32 @p0 v9, v7  }
0x4f: {  	v57 =	vld [tilespmem:s21+$0x0];
	v10 =	vadd.f32 @p0 v11, v10;
	v1 =	vpsel p0, v5, v1  }
0x50: {  	v59 =	vld [tilespmem:s20+$0x10];
	v58 =	vmul.f32 v4, v3;
	v1 =	vadd.f32 v3, v1;
	v2 =	vpsel p0, v7, v2  }
0x51: {  	v60 =	vld [tilespmem:s21+$0x10];
	v0 =	vpsel p0, v10, v0;
	v2 =	vadd.f32 v4, v2  }
0x52: {  	v61 =	vmul.f32 v55, v54;
	v0 =	vadd.f32 v58, v0;
	v1 =	vadd.f32 v54, v1  }
0x53: {  	v2 =	vadd.f32 v55, v2  }
0x54: {  	v62 =	vmul.f32 v57, v56;
	v0 =	vadd.f32 v61, v0;
	v1 =	vadd.f32 v56, v1  }
0x55: {  	v2 =	vadd.f32 v57, v2  }
0x56: {  	v63 =	vmul.f32 v60, v59;
	v0 =	vadd.f32 v62, v0;
	v1 =	vadd.f32 v59, v1  }
0x57: {  	v2 =	vadd.f32 v60, v2  }
0x58: {  	v0 =	vadd.f32 v63, v0;
	[tilespmem:$0xF880] =	vst v1  }
0x59: {  	s19 =	sadd.s32 $0x1, s19;
	[tilespmem:$0xF890] =	vst v2  }
0x5a: {  	p0 =	sne.s32 s19, s9;
	[tilespmem:$0xF8A0] =	vst v0  }
0x5b: {  	[hbm4b:s8+s2] =	stream.linear.scatter [tilespmem:s17], [sflag:$0x5], $0x30, $0x38;
	[tilespmem:$0xF8B0] =	vst v63  }
.Ltmp4:
0x5c: {  	_ = 	snop;
	(pc) =	sbr.rel @p0 .LBB2_1-.Ltmp4, $4  }
.Ltmp5:
0x5d: {  	_ = 	snop;
	(pc) =	sbr.rel @!p0 .LBB2_8-.Ltmp5, $4  }
0x5e: {  	_ =	swait.ge [sflag:s18], $0x30  }
0x5f: {  	[sflag:s18] =	ssyncset.done $0x0  }
0x60: {  	[sflag:s18] =	ssyncadd.s32 $0xFFFFFFD0  }
0x61: {  	_ = 	snop  }
.LBB2_4:
.Ltmp6:
0x62: {  	(pc) =	sbr.rel .LBB2_7-.Ltmp6, $2  }
0x63: {  	_ =	sdelay $0x2  }
0x64: {  	_ = 	snop  }
.LBB2_8:
0x65: {  	_ =	sfence.sel $0x180000  }
0x66: {  	[bflag:$0x0] =	sbarrier.arrive $0xFFFF  }
0x67: {  	p0 =	sne.s32 s0, $0x0;
	_ =	strace $0x90000047  }
0x68: {  	s0 =	sadd.s32 @!p0 $0x100000, s1;
	[bflag:$0x2] =	sbarrier.arrive $0xFFFF  }
0x69: {  	[sflag:s0] =	ssyncadd.tile.s32 @!p0 $0x1;
	_ =	shalt  }
.Lfunc_end2:
_tile_overlayer_lowered:
.L_overlay_start_2:
0x6a: {  	(tag) =	ssettag $0x2  }
0x6b: {  	s0 =	rddreg [dreg:$0x0];
	s2 =	stileid.u32  }
0x6c: {  	s1 =	rddreg [dreg:$0x1];
	p0 =	sne.s32 s2, $0x0  }
0x6d: {  	s3 =	rddreg [dreg:$0x2];
	[bflag:$0x3] =	sbarrier.arrive $0xFFFF;
	s2 =	simm.s32 @!p0 $0x1C05  }
0x6e: {  	[timem:s3], [sflag:s2] =	dma.local @!p0 [hbm:s0], s1  }
0x6f: {  	s0 =	simm.s32 @!p0 $0x5  }
0x70: {  	_ =	swait.ge @!p0 [sflag:s0], s1  }
0x71: {  	s1 =	ssub.s32 @!p0 $0x0, s1;
	[sflag:s0] =	ssyncset.done @!p0 $0x0  }
0x72: {  	[sflag:s0] =	ssyncadd.s32 @!p0 s1  }
0x73: {  	[bflag:$0x3] =	sbarrier.arrive $0xFFFF  }
0x74: {  	_ =	shalt  }

</sc_bundles>
